<compile_context>
chip_gen: v7x
topology: tpu7x:2x2x1
jax: 0.10.2.dev20260603
libtpu: 0.0.44.dev20260713+nightly
codegen_flags: <defaults>
</compile_context>

<pallas_src>
import functools

import jax
import jax.numpy as jnp
from jax import lax
from jax.experimental import pallas as pl
from jax.experimental.pallas import tpu as pltpu
from jax.experimental.pallas import tpu_sc as plsc

_F = 26
_V = 100000
_D = 32
_B = 4096

_NC = 2
_NS = 16
_NW = _NC * _NS
_R = _F * _D
_RPW = _R // _NW
_VA = 50048
_VB = _V - _VA


def _sc_gather(cat_t, tab2):
    mesh = plsc.VectorSubcoreMesh(core_axis_name="c", subcore_axis_name="s")

    @functools.partial(
        pl.kernel,
        mesh=mesh,
        out_type=jax.ShapeDtypeStruct((_R, _B), jnp.float32),
        scratch_types=[
            pltpu.VMEM((_VA,), jnp.float32),
            pltpu.VMEM((_VB,), jnp.float32),
            pltpu.VMEM((_B,), jnp.int32),
            pltpu.VMEM((_B,), jnp.float32),
            pltpu.SemaphoreType.DMA,
            pltpu.SemaphoreType.DMA,
            pltpu.SemaphoreType.DMA,
            pltpu.SemaphoreType.DMA,
        ],
        compiler_params=pltpu.CompilerParams(
            use_tc_tiling_on_sc=True, needs_layout_passes=False
        ),
    )
    def body(cat_hbm, tab_hbm, out_hbm, buf_a, buf_b, idx_v, out_v,
             sem_i, sem_a, sem_b, sem_o):
        wid = lax.axis_index("s") * _NC + lax.axis_index("c")
        base = wid * _RPW
        dsa = pl.ds(0, _VA)
        dsb = pl.ds(_VA, _VB)

        f0 = lax.shift_right_logical(base, 5)
        pltpu.async_copy(cat_hbm.at[f0], idx_v, sem_i)
        pltpu.async_copy(tab_hbm.at[base, dsa], buf_a, sem_a)
        pltpu.async_copy(tab_hbm.at[base, dsb], buf_b, sem_b)

        def gather_half(buf, first):
            lo = 0 if first else _VA

            def one(j, c):
                sl = pl.ds(pl.multiple_of(j * 16, 16), 16)
                v = idx_v[sl]
                m = (v < _VA) if first else (v >= _VA)
                g = plsc.load_gather(buf, [v - lo], mask=m)
                contrib = jnp.where(m, g, jnp.float32(0))
                out_v[sl] = contrib if first else out_v[sl] + contrib
                return c

            lax.fori_loop(0, _B // 16, one, 0, unroll=4)

        def do_row(rl, carry):
            r = base + rl
            not_last = rl < _RPW - 1
            rn = jnp.where(not_last, r + 1, r)
            f = lax.shift_right_logical(r, 5)
            fn = lax.shift_right_logical(rn, 5)

            @pl.when(rl > 0)
            def _():
                pltpu.make_async_copy(out_v, out_hbm.at[r], sem_o).wait()

            @pl.when((rl == 0) | (f != lax.shift_right_logical(r - 1, 5)))
            def _():
                pltpu.make_async_copy(cat_hbm.at[f], idx_v, sem_i).wait()

            pltpu.make_async_copy(tab_hbm.at[r, dsa], buf_a, sem_a).wait()
            gather_half(buf_a, True)

            @pl.when(not_last)
            def _():
                pltpu.async_copy(tab_hbm.at[rn, dsa], buf_a, sem_a)

            pltpu.make_async_copy(tab_hbm.at[r, dsb], buf_b, sem_b).wait()
            gather_half(buf_b, False)

            @pl.when(not_last & (fn != f))
            def _():
                pltpu.async_copy(cat_hbm.at[fn], idx_v, sem_i)

            pltpu.async_copy(out_v, out_hbm.at[r], sem_o)

            @pl.when(not_last)
            def _():
                pltpu.async_copy(tab_hbm.at[rn, dsb], buf_b, sem_b)

            return carry

        lax.fori_loop(0, _RPW, do_row, 0)
        pltpu.make_async_copy(out_v, out_hbm.at[base], sem_o).wait()

    return body(cat_t, tab2)


def kernel(categorical_data, tables):
    cat_t = categorical_data.astype(jnp.int32).T
    tab2 = tables.transpose(0, 2, 1).reshape(_R, _V)
    out2 = _sc_gather(cat_t, tab2)
    return out2.T.reshape(_B, _F * _D)

# --- scband reference (transcript-rebuilt; emitter-appended) ---
"""Pipeline reference for scband-embedding-module-29102698397735 (READ-ONLY COPY).

The authoritative reference and input builder live on the scoring server;
editing this copy changes nothing except your own understanding.
"""

import jax, jax.numpy as jnp
import numpy as np

NUM_FIELDS = 26
VOCAB = 100000
EMB_DIM = 32
BATCH = 4096


def setup_inputs(seed: int = 0) -> dict:
    key = jax.random.key(seed)
    k_idx, k_tab = jax.random.split(key)
    categorical_data = jax.random.randint(k_idx, (BATCH, NUM_FIELDS), 0, VOCAB, dtype=jnp.int64 if jax.config.jax_enable_x64 else jnp.int32)
    # stacked embedding tables, one per categorical field: [F, vocab, emb_dim]
    tables = jax.random.normal(k_tab, (NUM_FIELDS, VOCAB, EMB_DIM), dtype=jnp.float32) * 0.01
    return {"categorical_data": categorical_data, "tables": tables}


def reference(categorical_data, tables):
    # For each field i, look up tables[i][categorical_data[:, i]] and concat along dim 1.
    # Vectorized gather: [B, F, D]
    field_ids = jnp.arange(NUM_FIELDS)[None, :]  # [1, F]
    gathered = tables[field_ids, categorical_data]  # [B, F, D]
    x = gathered.reshape(categorical_data.shape[0], NUM_FIELDS * EMB_DIM)
    # embedding_dropout == 0.0 -> no dropout applied
    return x

if __name__ == "__main__":
    import jax
    _d = setup_inputs()
    print(jax.jit(kernel)(*tuple(_d.values())))

</pallas_src>

<mosaic_0001>
#map = affine_map<(d0, d1) -> (0, 0)>
module attributes {stable_mosaic.version = 14 : i64} {
  func.func @body(%arg0: i32, %arg1: i32, %arg2: memref<26x4096xi32, #tpu.memory_space<hbm>>, %arg3: memref<832x100000xf32, #tpu.memory_space<hbm>>, %arg4: memref<832x4096xf32, #tpu.memory_space<hbm>>, %arg5: memref<50048xf32, #tpu.memory_space<vmem>>, %arg6: memref<49952xf32, #tpu.memory_space<vmem>>, %arg7: memref<4096xi32, #tpu.memory_space<vmem>>, %arg8: memref<4096xf32, #tpu.memory_space<vmem>>, %arg9: memref<!tpu.dma_semaphore, #tpu.memory_space<semaphore_mem>>, %arg10: memref<!tpu.dma_semaphore, #tpu.memory_space<semaphore_mem>>, %arg11: memref<!tpu.dma_semaphore, #tpu.memory_space<semaphore_mem>>, %arg12: memref<!tpu.dma_semaphore, #tpu.memory_space<semaphore_mem>>) attributes {dimension_semantics = [#tpu.dimension_semantics<core_parallel>, #tpu.dimension_semantics<subcore_parallel>], iteration_bounds = array<i64: 2, 16>, scalar_prefetch = 0 : i64, scratch_operands = 8 : i64, tpu.core_type = #tpu.core_type<sc_vector_subcore>, window_params = [{transform_indices = #map}, {transform_indices = #map}, {transform_indices = #map}]} {
    %mul3A = arith.constant 2 : i32
    %mul3A_0 = arith.muli %arg1, %mul3A : i32
    %add3A = arith.addi %mul3A_0, %arg0 : i32
    %mul3A_1 = arith.constant 26 : i32
    %mul3A_2 = arith.muli %add3A, %mul3A_1 : i32
    %shift_right_logical3A = arith.constant 5 : i32
    %shift_right_logical3A_3 = arith.shrui %mul3A_2, %shift_right_logical3A : i32
    %dma_start3A = arith.constant 0 : i32
    %dma_start3A_4 = tpu.memref_slice %arg2[%shift_right_logical3A_3, %dma_start3A] : memref<26x4096xi32, #tpu.memory_space<hbm>> -> memref<1x4096xi32, #tpu.memory_space<hbm>>
    %dma_start3A_5 = tpu.memref_squeeze %dma_start3A_4 : memref<1x4096xi32, #tpu.memory_space<hbm>> -> memref<4096xi32, #tpu.memory_space<hbm>>
    %dma_start3A_6 = arith.constant 0 : i32
    %dma_start3A_7 = tpu.memref_slice %arg2[%shift_right_logical3A_3, %dma_start3A_6] : memref<26x4096xi32, #tpu.memory_space<hbm>> -> memref<1x4096xi32, #tpu.memory_space<hbm>>
    %dma_start3A_8 = tpu.memref_squeeze %dma_start3A_7 : memref<1x4096xi32, #tpu.memory_space<hbm>> -> memref<4096xi32, #tpu.memory_space<hbm>>
    tpu.enqueue_dma source(%dma_start3A_8 : memref<4096xi32, #tpu.memory_space<hbm>>) target(%arg7 : memref<4096xi32, #tpu.memory_space<vmem>>) target_semaphore(%arg9 : memref<!tpu.dma_semaphore, #tpu.memory_space<semaphore_mem>>)
    %dma_start3A_9 = arith.constant 0 : i32
    %dma_start3A_10 = tpu.memref_slice %arg3[%mul3A_2, %dma_start3A_9] : memref<832x100000xf32, #tpu.memory_space<hbm>> -> memref<1x50048xf32, #tpu.memory_space<hbm>>
    %dma_start3A_11 = tpu.memref_squeeze %dma_start3A_10 : memref<1x50048xf32, #tpu.memory_space<hbm>> -> memref<50048xf32, #tpu.memory_space<hbm>>
    %dma_start3A_12 = arith.constant 0 : i32
    %dma_start3A_13 = tpu.memref_slice %arg3[%mul3A_2, %dma_start3A_12] : memref<832x100000xf32, #tpu.memory_space<hbm>> -> memref<1x50048xf32, #tpu.memory_space<hbm>>
    %dma_start3A_14 = tpu.memref_squeeze %dma_start3A_13 : memref<1x50048xf32, #tpu.memory_space<hbm>> -> memref<50048xf32, #tpu.memory_space<hbm>>
    tpu.enqueue_dma source(%dma_start3A_14 : memref<50048xf32, #tpu.memory_space<hbm>>) target(%arg5 : memref<50048xf32, #tpu.memory_space<vmem>>) target_semaphore(%arg10 : memref<!tpu.dma_semaphore, #tpu.memory_space<semaphore_mem>>)
    %dma_start3A_15 = arith.constant 50048 : i32
    %dma_start3A_16 = tpu.memref_slice %arg3[%mul3A_2, %dma_start3A_15] : memref<832x100000xf32, #tpu.memory_space<hbm>> -> memref<1x49952xf32, #tpu.memory_space<hbm>>
    %dma_start3A_17 = tpu.memref_squeeze %dma_start3A_16 : memref<1x49952xf32, #tpu.memory_space<hbm>> -> memref<49952xf32, #tpu.memory_space<hbm>>
    %dma_start3A_18 = arith.constant 50048 : i32
    %dma_start3A_19 = tpu.memref_slice %arg3[%mul3A_2, %dma_start3A_18] : memref<832x100000xf32, #tpu.memory_space<hbm>> -> memref<1x49952xf32, #tpu.memory_space<hbm>>
    %dma_start3A_20 = tpu.memref_squeeze %dma_start3A_19 : memref<1x49952xf32, #tpu.memory_space<hbm>> -> memref<49952xf32, #tpu.memory_space<hbm>>
    tpu.enqueue_dma source(%dma_start3A_20 : memref<49952xf32, #tpu.memory_space<hbm>>) target(%arg6 : memref<49952xf32, #tpu.memory_space<vmem>>) target_semaphore(%arg11 : memref<!tpu.dma_semaphore, #tpu.memory_space<semaphore_mem>>)
    %scan3A = arith.constant 0 : i32
    %scan3A_21 = arith.constant 0 : i32
    %scan3A_22 = arith.constant 26 : i32
    %scan3A_23 = arith.addi %scan3A_21, %scan3A_22 : i32
    %scan3A_24 = arith.constant 1 : i32
    scf.for %scan3A_31 = %scan3A_21 to %scan3A_23 step %scan3A_24  : i32 {
      %add3A_32 = arith.addi %mul3A_2, %scan3A_31 : i32
      %lt3A = arith.constant 25 : i32
      %lt3A_33 = arith.cmpi slt, %scan3A_31, %lt3A : i32
      %add3A_34 = arith.constant 1 : i32
      %add3A_35 = arith.addi %add3A_32, %add3A_34 : i32
      %select_n3A = arith.select %lt3A_33, %add3A_35, %add3A_32 : i32
      %shift_right_logical3A_36 = arith.constant 5 : i32
      %shift_right_logical3A_37 = arith.shrui %add3A_32, %shift_right_logical3A_36 : i32
      %shift_right_logical3A_38 = arith.constant 5 : i32
      %shift_right_logical3A_39 = arith.shrui %select_n3A, %shift_right_logical3A_38 : i32
      %gt3A = arith.constant 0 : i32
      %gt3A_40 = arith.cmpi sgt, %scan3A_31, %gt3A : i32
      %convert_element_type3A = arith.extui %gt3A_40 : i1 to i32
      %cond3A = arith.constant 0 : i32
      %cond3A_41 = arith.cmpi ne, %convert_element_type3A, %cond3A : i32
      scf.if %cond3A_41 {
        %dma_wait3A_89 = arith.constant 0 : i32
        %dma_wait3A_90 = tpu.memref_slice %arg4[%add3A_32, %dma_wait3A_89] : memref<832x4096xf32, #tpu.memory_space<hbm>> -> memref<1x4096xf32, #tpu.memory_space<hbm>>
        %dma_wait3A_91 = tpu.memref_squeeze %dma_wait3A_90 : memref<1x4096xf32, #tpu.memory_space<hbm>> -> memref<4096xf32, #tpu.memory_space<hbm>>
        %dma_wait3A_92 = arith.constant 0 : i32
        %dma_wait3A_93 = tpu.memref_slice %arg4[%add3A_32, %dma_wait3A_92] : memref<832x4096xf32, #tpu.memory_space<hbm>> -> memref<1x4096xf32, #tpu.memory_space<hbm>>
        %dma_wait3A_94 = tpu.memref_squeeze %dma_wait3A_93 : memref<1x4096xf32, #tpu.memory_space<hbm>> -> memref<4096xf32, #tpu.memory_space<hbm>>
        tpu.wait_dma2 semaphore(%arg12 : memref<!tpu.dma_semaphore, #tpu.memory_space<semaphore_mem>>) src(%arg8 : memref<4096xf32, #tpu.memory_space<vmem>>) dst(%dma_wait3A_94 : memref<4096xf32, #tpu.memory_space<hbm>>)
      } else {
      }
      %eq3A = arith.constant 0 : i32
      %eq3A_42 = arith.cmpi eq, %scan3A_31, %eq3A : i32
      %sub3A = arith.constant 1 : i32
      %sub3A_43 = arith.subi %add3A_32, %sub3A : i32
      %shift_right_logical3A_44 = arith.constant 5 : i32
      %shift_right_logical3A_45 = arith.shrui %sub3A_43, %shift_right_logical3A_44 : i32
      %ne3A = arith.cmpi ne, %shift_right_logical3A_37, %shift_right_logical3A_45 : i32
      %or3A = arith.ori %eq3A_42, %ne3A : i1
      %convert_element_type3A_46 = arith.extui %or3A : i1 to i32
      %cond3A_47 = arith.constant 0 : i32
      %cond3A_48 = arith.cmpi ne, %convert_element_type3A_46, %cond3A_47 : i32
      scf.if %cond3A_48 {
        %dma_wait3A_89 = arith.constant 0 : i32
        %dma_wait3A_90 = tpu.memref_slice %arg2[%shift_right_logical3A_37, %dma_wait3A_89] : memref<26x4096xi32, #tpu.memory_space<hbm>> -> memref<1x4096xi32, #tpu.memory_space<hbm>>
        %dma_wait3A_91 = tpu.memref_squeeze %dma_wait3A_90 : memref<1x4096xi32, #tpu.memory_space<hbm>> -> memref<4096xi32, #tpu.memory_space<hbm>>
        %dma_wait3A_92 = arith.constant 0 : i32
        %dma_wait3A_93 = tpu.memref_slice %arg2[%shift_right_logical3A_37, %dma_wait3A_92] : memref<26x4096xi32, #tpu.memory_space<hbm>> -> memref<1x4096xi32, #tpu.memory_space<hbm>>
        %dma_wait3A_94 = tpu.memref_squeeze %dma_wait3A_93 : memref<1x4096xi32, #tpu.memory_space<hbm>> -> memref<4096xi32, #tpu.memory_space<hbm>>
        tpu.wait_dma2 semaphore(%arg9 : memref<!tpu.dma_semaphore, #tpu.memory_space<semaphore_mem>>) src(%dma_wait3A_94 : memref<4096xi32, #tpu.memory_space<hbm>>) dst(%arg7 : memref<4096xi32, #tpu.memory_space<vmem>>)
      } else {
      }
      %dma_wait3A_49 = arith.constant 0 : i32
      %dma_wait3A_50 = tpu.memref_slice %arg3[%add3A_32, %dma_wait3A_49] : memref<832x100000xf32, #tpu.memory_space<hbm>> -> memref<1x50048xf32, #tpu.memory_space<hbm>>
      %dma_wait3A_51 = tpu.memref_squeeze %dma_wait3A_50 : memref<1x50048xf32, #tpu.memory_space<hbm>> -> memref<50048xf32, #tpu.memory_space<hbm>>
      %dma_wait3A_52 = arith.constant 0 : i32
      %dma_wait3A_53 = tpu.memref_slice %arg3[%add3A_32, %dma_wait3A_52] : memref<832x100000xf32, #tpu.memory_space<hbm>> -> memref<1x50048xf32, #tpu.memory_space<hbm>>
      %dma_wait3A_54 = tpu.memref_squeeze %dma_wait3A_53 : memref<1x50048xf32, #tpu.memory_space<hbm>> -> memref<50048xf32, #tpu.memory_space<hbm>>
      tpu.wait_dma2 semaphore(%arg10 : memref<!tpu.dma_semaphore, #tpu.memory_space<semaphore_mem>>) src(%dma_wait3A_54 : memref<50048xf32, #tpu.memory_space<hbm>>) dst(%arg5 : memref<50048xf32, #tpu.memory_space<vmem>>)
      %scan3A_55 = arith.constant 0 : i32
      %scan3A_56 = arith.constant 0 : i32
      %scan3A_57 = arith.constant 256 : i32
      %scan3A_58 = arith.addi %scan3A_56, %scan3A_57 : i32
      %scan3A_59 = arith.constant 4 : i32
      scf.for %scan3A_89 = %scan3A_56 to %scan3A_58 step %scan3A_59  : i32 {
        %mul3A_90 = arith.constant 16 : i32
        %mul3A_91 = arith.muli %scan3A_89, %mul3A_90 : i32
        %multiple_of3A = tpu.assume_multiple %mul3A_91, 16 : i32
        %get3A = arith.index_cast %multiple_of3A : i32 to index
        %get3A_92 = tpu.vector_load %arg7[%get3A] {strides = array<i32>} : memref<4096xi32, #tpu.memory_space<vmem>>, vector<16xi32>,
        %lt3A_93 = arith.constant 50048 : i32
        %lt3A_94 = vector.broadcast %lt3A_93 : i32 to vector<16xi32>
        %lt3A_95 = arith.cmpi slt, %get3A_92, %lt3A_94 : vector<16xi32>
        %sub3A_96 = arith.constant 0 : i32
        %sub3A_97 = vector.broadcast %sub3A_96 : i32 to vector<16xi32>
        %sub3A_98 = arith.subi %get3A_92, %sub3A_97 : vector<16xi32>
        %gather3A = tpu.vector_load_idx %arg5[%sub3A_98] masked %lt3A_95 : memref<50048xf32, #tpu.memory_space<vmem>>[vector<16xi32>], vector<16xf32>, vector<16xi1>
        %jit3A = arith.constant 0.000000e+00 : f32
        %broadcast_in_dim3A = vector.broadcast %jit3A : f32 to vector<16xf32>
        %select_n3A_99 = arith.select %lt3A_95, %gather3A, %broadcast_in_dim3A : vector<16xi1>, vector<16xf32>
        %swap3A = arith.index_cast %multiple_of3A : i32 to index
        %swap3A_100 = tpu.vector_load %arg8[%swap3A] {strides = array<i32>} : memref<4096xf32, #tpu.memory_space<vmem>>, vector<16xf32>,
        tpu.vector_store %arg8[%swap3A], %select_n3A_99 {strides = array<i32>} : memref<4096xf32, #tpu.memory_space<vmem>>, vector<16xf32>,
        %scan3A_101 = arith.constant 1 : i32
        %scan3A_102 = arith.addi %scan3A_89, %scan3A_101 : i32
        %mul3A_103 = arith.constant 16 : i32
        %mul3A_104 = arith.muli %scan3A_102, %mul3A_103 : i32
        %multiple_of3A_105 = tpu.assume_multiple %mul3A_104, 16 : i32
        %get3A_106 = arith.index_cast %multiple_of3A_105 : i32 to index
        %get3A_107 = tpu.vector_load %arg7[%get3A_106] {strides = array<i32>} : memref<4096xi32, #tpu.memory_space<vmem>>, vector<16xi32>,
        %lt3A_108 = arith.constant 50048 : i32
        %lt3A_109 = vector.broadcast %lt3A_108 : i32 to vector<16xi32>
        %lt3A_110 = arith.cmpi slt, %get3A_107, %lt3A_109 : vector<16xi32>
        %sub3A_111 = arith.constant 0 : i32
        %sub3A_112 = vector.broadcast %sub3A_111 : i32 to vector<16xi32>
        %sub3A_113 = arith.subi %get3A_107, %sub3A_112 : vector<16xi32>
        %gather3A_114 = tpu.vector_load_idx %arg5[%sub3A_113] masked %lt3A_110 : memref<50048xf32, #tpu.memory_space<vmem>>[vector<16xi32>], vector<16xf32>, vector<16xi1>
        %jit3A_115 = arith.constant 0.000000e+00 : f32
        %broadcast_in_dim3A_116 = vector.broadcast %jit3A_115 : f32 to vector<16xf32>
        %select_n3A_117 = arith.select %lt3A_110, %gather3A_114, %broadcast_in_dim3A_116 : vector<16xi1>, vector<16xf32>
        %swap3A_118 = arith.index_cast %multiple_of3A_105 : i32 to index
        %swap3A_119 = tpu.vector_load %arg8[%swap3A_118] {strides = array<i32>} : memref<4096xf32, #tpu.memory_space<vmem>>, vector<16xf32>,
        tpu.vector_store %arg8[%swap3A_118], %select_n3A_117 {strides = array<i32>} : memref<4096xf32, #tpu.memory_space<vmem>>, vector<16xf32>,
        %scan3A_120 = arith.constant 2 : i32
        %scan3A_121 = arith.addi %scan3A_89, %scan3A_120 : i32
        %mul3A_122 = arith.constant 16 : i32
        %mul3A_123 = arith.muli %scan3A_121, %mul3A_122 : i32
        %multiple_of3A_124 = tpu.assume_multiple %mul3A_123, 16 : i32
        %get3A_125 = arith.index_cast %multiple_of3A_124 : i32 to index
        %get3A_126 = tpu.vector_load %arg7[%get3A_125] {strides = array<i32>} : memref<4096xi32, #tpu.memory_space<vmem>>, vector<16xi32>,
        %lt3A_127 = arith.constant 50048 : i32
        %lt3A_128 = vector.broadcast %lt3A_127 : i32 to vector<16xi32>
        %lt3A_129 = arith.cmpi slt, %get3A_126, %lt3A_128 : vector<16xi32>
        %sub3A_130 = arith.constant 0 : i32
        %sub3A_131 = vector.broadcast %sub3A_130 : i32 to vector<16xi32>
        %sub3A_132 = arith.subi %get3A_126, %sub3A_131 : vector<16xi32>
        %gather3A_133 = tpu.vector_load_idx %arg5[%sub3A_132] masked %lt3A_129 : memref<50048xf32, #tpu.memory_space<vmem>>[vector<16xi32>], vector<16xf32>, vector<16xi1>
        %jit3A_134 = arith.constant 0.000000e+00 : f32
        %broadcast_in_dim3A_135 = vector.broadcast %jit3A_134 : f32 to vector<16xf32>
        %select_n3A_136 = arith.select %lt3A_129, %gather3A_133, %broadcast_in_dim3A_135 : vector<16xi1>, vector<16xf32>
        %swap3A_137 = arith.index_cast %multiple_of3A_124 : i32 to index
        %swap3A_138 = tpu.vector_load %arg8[%swap3A_137] {strides = array<i32>} : memref<4096xf32, #tpu.memory_space<vmem>>, vector<16xf32>,
        tpu.vector_store %arg8[%swap3A_137], %select_n3A_136 {strides = array<i32>} : memref<4096xf32, #tpu.memory_space<vmem>>, vector<16xf32>,
        %scan3A_139 = arith.constant 3 : i32
        %scan3A_140 = arith.addi %scan3A_89, %scan3A_139 : i32
        %mul3A_141 = arith.constant 16 : i32
        %mul3A_142 = arith.muli %scan3A_140, %mul3A_141 : i32
        %multiple_of3A_143 = tpu.assume_multiple %mul3A_142, 16 : i32
        %get3A_144 = arith.index_cast %multiple_of3A_143 : i32 to index
        %get3A_145 = tpu.vector_load %arg7[%get3A_144] {strides = array<i32>} : memref<4096xi32, #tpu.memory_space<vmem>>, vector<16xi32>,
        %lt3A_146 = arith.constant 50048 : i32
        %lt3A_147 = vector.broadcast %lt3A_146 : i32 to vector<16xi32>
        %lt3A_148 = arith.cmpi slt, %get3A_145, %lt3A_147 : vector<16xi32>
        %sub3A_149 = arith.constant 0 : i32
        %sub3A_150 = vector.broadcast %sub3A_149 : i32 to vector<16xi32>
        %sub3A_151 = arith.subi %get3A_145, %sub3A_150 : vector<16xi32>
        %gather3A_152 = tpu.vector_load_idx %arg5[%sub3A_151] masked %lt3A_148 : memref<50048xf32, #tpu.memory_space<vmem>>[vector<16xi32>], vector<16xf32>, vector<16xi1>
        %jit3A_153 = arith.constant 0.000000e+00 : f32
        %broadcast_in_dim3A_154 = vector.broadcast %jit3A_153 : f32 to vector<16xf32>
        %select_n3A_155 = arith.select %lt3A_148, %gather3A_152, %broadcast_in_dim3A_154 : vector<16xi1>, vector<16xf32>
        %swap3A_156 = arith.index_cast %multiple_of3A_143 : i32 to index
        %swap3A_157 = tpu.vector_load %arg8[%swap3A_156] {strides = array<i32>} : memref<4096xf32, #tpu.memory_space<vmem>>, vector<16xf32>,
        tpu.vector_store %arg8[%swap3A_156], %select_n3A_155 {strides = array<i32>} : memref<4096xf32, #tpu.memory_space<vmem>>, vector<16xf32>,
      }
      %scan3A_60 = arith.constant 256 : i32
      %convert_element_type3A_61 = arith.extui %lt3A_33 : i1 to i32
      %cond3A_62 = arith.constant 0 : i32
      %cond3A_63 = arith.cmpi ne, %convert_element_type3A_61, %cond3A_62 : i32
      scf.if %cond3A_63 {
        %dma_start3A_89 = arith.constant 0 : i32
        %dma_start3A_90 = tpu.memref_slice %arg3[%select_n3A, %dma_start3A_89] : memref<832x100000xf32, #tpu.memory_space<hbm>> -> memref<1x50048xf32, #tpu.memory_space<hbm>>
        %dma_start3A_91 = tpu.memref_squeeze %dma_start3A_90 : memref<1x50048xf32, #tpu.memory_space<hbm>> -> memref<50048xf32, #tpu.memory_space<hbm>>
        %dma_start3A_92 = arith.constant 0 : i32
        %dma_start3A_93 = tpu.memref_slice %arg3[%select_n3A, %dma_start3A_92] : memref<832x100000xf32, #tpu.memory_space<hbm>> -> memref<1x50048xf32, #tpu.memory_space<hbm>>
        %dma_start3A_94 = tpu.memref_squeeze %dma_start3A_93 : memref<1x50048xf32, #tpu.memory_space<hbm>> -> memref<50048xf32, #tpu.memory_space<hbm>>
        tpu.enqueue_dma source(%dma_start3A_94 : memref<50048xf32, #tpu.memory_space<hbm>>) target(%arg5 : memref<50048xf32, #tpu.memory_space<vmem>>) target_semaphore(%arg10 : memref<!tpu.dma_semaphore, #tpu.memory_space<semaphore_mem>>)
      } else {
      }
      %dma_wait3A_64 = arith.constant 50048 : i32
      %dma_wait3A_65 = tpu.memref_slice %arg3[%add3A_32, %dma_wait3A_64] : memref<832x100000xf32, #tpu.memory_space<hbm>> -> memref<1x49952xf32, #tpu.memory_space<hbm>>
      %dma_wait3A_66 = tpu.memref_squeeze %dma_wait3A_65 : memref<1x49952xf32, #tpu.memory_space<hbm>> -> memref<49952xf32, #tpu.memory_space<hbm>>
      %dma_wait3A_67 = arith.constant 50048 : i32
      %dma_wait3A_68 = tpu.memref_slice %arg3[%add3A_32, %dma_wait3A_67] : memref<832x100000xf32, #tpu.memory_space<hbm>> -> memref<1x49952xf32, #tpu.memory_space<hbm>>
      %dma_wait3A_69 = tpu.memref_squeeze %dma_wait3A_68 : memref<1x49952xf32, #tpu.memory_space<hbm>> -> memref<49952xf32, #tpu.memory_space<hbm>>
      tpu.wait_dma2 semaphore(%arg11 : memref<!tpu.dma_semaphore, #tpu.memory_space<semaphore_mem>>) src(%dma_wait3A_69 : memref<49952xf32, #tpu.memory_space<hbm>>) dst(%arg6 : memref<49952xf32, #tpu.memory_space<vmem>>)
      %scan3A_70 = arith.constant 0 : i32
      %scan3A_71 = arith.constant 0 : i32
      %scan3A_72 = arith.constant 256 : i32
      %scan3A_73 = arith.addi %scan3A_71, %scan3A_72 : i32
      %scan3A_74 = arith.constant 4 : i32
      scf.for %scan3A_89 = %scan3A_71 to %scan3A_73 step %scan3A_74  : i32 {
        %mul3A_90 = arith.constant 16 : i32
        %mul3A_91 = arith.muli %scan3A_89, %mul3A_90 : i32
        %multiple_of3A = tpu.assume_multiple %mul3A_91, 16 : i32
        %get3A = arith.index_cast %multiple_of3A : i32 to index
        %get3A_92 = tpu.vector_load %arg7[%get3A] {strides = array<i32>} : memref<4096xi32, #tpu.memory_space<vmem>>, vector<16xi32>,
        %ge3A = arith.constant 50048 : i32
        %ge3A_93 = vector.broadcast %ge3A : i32 to vector<16xi32>
        %ge3A_94 = arith.cmpi sge, %get3A_92, %ge3A_93 : vector<16xi32>
        %sub3A_95 = arith.constant 50048 : i32
        %sub3A_96 = vector.broadcast %sub3A_95 : i32 to vector<16xi32>
        %sub3A_97 = arith.subi %get3A_92, %sub3A_96 : vector<16xi32>
        %gather3A = tpu.vector_load_idx %arg6[%sub3A_97] masked %ge3A_94 : memref<49952xf32, #tpu.memory_space<vmem>>[vector<16xi32>], vector<16xf32>, vector<16xi1>
        %jit3A = arith.constant 0.000000e+00 : f32
        %broadcast_in_dim3A = vector.broadcast %jit3A : f32 to vector<16xf32>
        %select_n3A_98 = arith.select %ge3A_94, %gather3A, %broadcast_in_dim3A : vector<16xi1>, vector<16xf32>
        %get3A_99 = arith.index_cast %multiple_of3A : i32 to index
        %get3A_100 = tpu.vector_load %arg8[%get3A_99] {strides = array<i32>} : memref<4096xf32, #tpu.memory_space<vmem>>, vector<16xf32>,
        %add3A_101 = arith.addf %get3A_100, %select_n3A_98 : vector<16xf32>
        %swap3A = arith.index_cast %multiple_of3A : i32 to index
        %swap3A_102 = tpu.vector_load %arg8[%swap3A] {strides = array<i32>} : memref<4096xf32, #tpu.memory_space<vmem>>, vector<16xf32>,
        tpu.vector_store %arg8[%swap3A], %add3A_101 {strides = array<i32>} : memref<4096xf32, #tpu.memory_space<vmem>>, vector<16xf32>,
        %scan3A_103 = arith.constant 1 : i32
        %scan3A_104 = arith.addi %scan3A_89, %scan3A_103 : i32
        %mul3A_105 = arith.constant 16 : i32
        %mul3A_106 = arith.muli %scan3A_104, %mul3A_105 : i32
        %multiple_of3A_107 = tpu.assume_multiple %mul3A_106, 16 : i32
        %get3A_108 = arith.index_cast %multiple_of3A_107 : i32 to index
        %get3A_109 = tpu.vector_load %arg7[%get3A_108] {strides = array<i32>} : memref<4096xi32, #tpu.memory_space<vmem>>, vector<16xi32>,
        %ge3A_110 = arith.constant 50048 : i32
        %ge3A_111 = vector.broadcast %ge3A_110 : i32 to vector<16xi32>
        %ge3A_112 = arith.cmpi sge, %get3A_109, %ge3A_111 : vector<16xi32>
        %sub3A_113 = arith.constant 50048 : i32
        %sub3A_114 = vector.broadcast %sub3A_113 : i32 to vector<16xi32>
        %sub3A_115 = arith.subi %get3A_109, %sub3A_114 : vector<16xi32>
        %gather3A_116 = tpu.vector_load_idx %arg6[%sub3A_115] masked %ge3A_112 : memref<49952xf32, #tpu.memory_space<vmem>>[vector<16xi32>], vector<16xf32>, vector<16xi1>
        %jit3A_117 = arith.constant 0.000000e+00 : f32
        %broadcast_in_dim3A_118 = vector.broadcast %jit3A_117 : f32 to vector<16xf32>
        %select_n3A_119 = arith.select %ge3A_112, %gather3A_116, %broadcast_in_dim3A_118 : vector<16xi1>, vector<16xf32>
        %get3A_120 = arith.index_cast %multiple_of3A_107 : i32 to index
        %get3A_121 = tpu.vector_load %arg8[%get3A_120] {strides = array<i32>} : memref<4096xf32, #tpu.memory_space<vmem>>, vector<16xf32>,
        %add3A_122 = arith.addf %get3A_121, %select_n3A_119 : vector<16xf32>
        %swap3A_123 = arith.index_cast %multiple_of3A_107 : i32 to index
        %swap3A_124 = tpu.vector_load %arg8[%swap3A_123] {strides = array<i32>} : memref<4096xf32, #tpu.memory_space<vmem>>, vector<16xf32>,
        tpu.vector_store %arg8[%swap3A_123], %add3A_122 {strides = array<i32>} : memref<4096xf32, #tpu.memory_space<vmem>>, vector<16xf32>,
        %scan3A_125 = arith.constant 2 : i32
        %scan3A_126 = arith.addi %scan3A_89, %scan3A_125 : i32
        %mul3A_127 = arith.constant 16 : i32
        %mul3A_128 = arith.muli %scan3A_126, %mul3A_127 : i32
        %multiple_of3A_129 = tpu.assume_multiple %mul3A_128, 16 : i32
        %get3A_130 = arith.index_cast %multiple_of3A_129 : i32 to index
        %get3A_131 = tpu.vector_load %arg7[%get3A_130] {strides = array<i32>} : memref<4096xi32, #tpu.memory_space<vmem>>, vector<16xi32>,
        %ge3A_132 = arith.constant 50048 : i32
        %ge3A_133 = vector.broadcast %ge3A_132 : i32 to vector<16xi32>
        %ge3A_134 = arith.cmpi sge, %get3A_131, %ge3A_133 : vector<16xi32>
        %sub3A_135 = arith.constant 50048 : i32
        %sub3A_136 = vector.broadcast %sub3A_135 : i32 to vector<16xi32>
        %sub3A_137 = arith.subi %get3A_131, %sub3A_136 : vector<16xi32>
        %gather3A_138 = tpu.vector_load_idx %arg6[%sub3A_137] masked %ge3A_134 : memref<49952xf32, #tpu.memory_space<vmem>>[vector<16xi32>], vector<16xf32>, vector<16xi1>
        %jit3A_139 = arith.constant 0.000000e+00 : f32
        %broadcast_in_dim3A_140 = vector.broadcast %jit3A_139 : f32 to vector<16xf32>
        %select_n3A_141 = arith.select %ge3A_134, %gather3A_138, %broadcast_in_dim3A_140 : vector<16xi1>, vector<16xf32>
        %get3A_142 = arith.index_cast %multiple_of3A_129 : i32 to index
        %get3A_143 = tpu.vector_load %arg8[%get3A_142] {strides = array<i32>} : memref<4096xf32, #tpu.memory_space<vmem>>, vector<16xf32>,
        %add3A_144 = arith.addf %get3A_143, %select_n3A_141 : vector<16xf32>
        %swap3A_145 = arith.index_cast %multiple_of3A_129 : i32 to index
        %swap3A_146 = tpu.vector_load %arg8[%swap3A_145] {strides = array<i32>} : memref<4096xf32, #tpu.memory_space<vmem>>, vector<16xf32>,
        tpu.vector_store %arg8[%swap3A_145], %add3A_144 {strides = array<i32>} : memref<4096xf32, #tpu.memory_space<vmem>>, vector<16xf32>,
        %scan3A_147 = arith.constant 3 : i32
        %scan3A_148 = arith.addi %scan3A_89, %scan3A_147 : i32
        %mul3A_149 = arith.constant 16 : i32
        %mul3A_150 = arith.muli %scan3A_148, %mul3A_149 : i32
        %multiple_of3A_151 = tpu.assume_multiple %mul3A_150, 16 : i32
        %get3A_152 = arith.index_cast %multiple_of3A_151 : i32 to index
        %get3A_153 = tpu.vector_load %arg7[%get3A_152] {strides = array<i32>} : memref<4096xi32, #tpu.memory_space<vmem>>, vector<16xi32>,
        %ge3A_154 = arith.constant 50048 : i32
        %ge3A_155 = vector.broadcast %ge3A_154 : i32 to vector<16xi32>
        %ge3A_156 = arith.cmpi sge, %get3A_153, %ge3A_155 : vector<16xi32>
        %sub3A_157 = arith.constant 50048 : i32
        %sub3A_158 = vector.broadcast %sub3A_157 : i32 to vector<16xi32>
        %sub3A_159 = arith.subi %get3A_153, %sub3A_158 : vector<16xi32>
        %gather3A_160 = tpu.vector_load_idx %arg6[%sub3A_159] masked %ge3A_156 : memref<49952xf32, #tpu.memory_space<vmem>>[vector<16xi32>], vector<16xf32>, vector<16xi1>
        %jit3A_161 = arith.constant 0.000000e+00 : f32
        %broadcast_in_dim3A_162 = vector.broadcast %jit3A_161 : f32 to vector<16xf32>
        %select_n3A_163 = arith.select %ge3A_156, %gather3A_160, %broadcast_in_dim3A_162 : vector<16xi1>, vector<16xf32>
        %get3A_164 = arith.index_cast %multiple_of3A_151 : i32 to index
        %get3A_165 = tpu.vector_load %arg8[%get3A_164] {strides = array<i32>} : memref<4096xf32, #tpu.memory_space<vmem>>, vector<16xf32>,
        %add3A_166 = arith.addf %get3A_165, %select_n3A_163 : vector<16xf32>
        %swap3A_167 = arith.index_cast %multiple_of3A_151 : i32 to index
        %swap3A_168 = tpu.vector_load %arg8[%swap3A_167] {strides = array<i32>} : memref<4096xf32, #tpu.memory_space<vmem>>, vector<16xf32>,
        tpu.vector_store %arg8[%swap3A_167], %add3A_166 {strides = array<i32>} : memref<4096xf32, #tpu.memory_space<vmem>>, vector<16xf32>,
      }
      %scan3A_75 = arith.constant 256 : i32
      %ne3A_76 = arith.cmpi ne, %shift_right_logical3A_39, %shift_right_logical3A_37 : i32
      %and3A = arith.andi %lt3A_33, %ne3A_76 : i1
      %convert_element_type3A_77 = arith.extui %and3A : i1 to i32
      %cond3A_78 = arith.constant 0 : i32
      %cond3A_79 = arith.cmpi ne, %convert_element_type3A_77, %cond3A_78 : i32
      scf.if %cond3A_79 {
        %dma_start3A_89 = arith.constant 0 : i32
        %dma_start3A_90 = tpu.memref_slice %arg2[%shift_right_logical3A_39, %dma_start3A_89] : memref<26x4096xi32, #tpu.memory_space<hbm>> -> memref<1x4096xi32, #tpu.memory_space<hbm>>
        %dma_start3A_91 = tpu.memref_squeeze %dma_start3A_90 : memref<1x4096xi32, #tpu.memory_space<hbm>> -> memref<4096xi32, #tpu.memory_space<hbm>>
        %dma_start3A_92 = arith.constant 0 : i32
        %dma_start3A_93 = tpu.memref_slice %arg2[%shift_right_logical3A_39, %dma_start3A_92] : memref<26x4096xi32, #tpu.memory_space<hbm>> -> memref<1x4096xi32, #tpu.memory_space<hbm>>
        %dma_start3A_94 = tpu.memref_squeeze %dma_start3A_93 : memref<1x4096xi32, #tpu.memory_space<hbm>> -> memref<4096xi32, #tpu.memory_space<hbm>>
        tpu.enqueue_dma source(%dma_start3A_94 : memref<4096xi32, #tpu.memory_space<hbm>>) target(%arg7 : memref<4096xi32, #tpu.memory_space<vmem>>) target_semaphore(%arg9 : memref<!tpu.dma_semaphore, #tpu.memory_space<semaphore_mem>>)
      } else {
      }
      %dma_start3A_80 = arith.constant 0 : i32
      %dma_start3A_81 = tpu.memref_slice %arg4[%add3A_32, %dma_start3A_80] : memref<832x4096xf32, #tpu.memory_space<hbm>> -> memref<1x4096xf32, #tpu.memory_space<hbm>>
      %dma_start3A_82 = tpu.memref_squeeze %dma_start3A_81 : memref<1x4096xf32, #tpu.memory_space<hbm>> -> memref<4096xf32, #tpu.memory_space<hbm>>
      %dma_start3A_83 = arith.constant 0 : i32
      %dma_start3A_84 = tpu.memref_slice %arg4[%add3A_32, %dma_start3A_83] : memref<832x4096xf32, #tpu.memory_space<hbm>> -> memref<1x4096xf32, #tpu.memory_space<hbm>>
      %dma_start3A_85 = tpu.memref_squeeze %dma_start3A_84 : memref<1x4096xf32, #tpu.memory_space<hbm>> -> memref<4096xf32, #tpu.memory_space<hbm>>
      tpu.enqueue_dma source(%arg8 : memref<4096xf32, #tpu.memory_space<vmem>>) target(%dma_start3A_85 : memref<4096xf32, #tpu.memory_space<hbm>>) target_semaphore(%arg12 : memref<!tpu.dma_semaphore, #tpu.memory_space<semaphore_mem>>)
      %convert_element_type3A_86 = arith.extui %lt3A_33 : i1 to i32
      %cond3A_87 = arith.constant 0 : i32
      %cond3A_88 = arith.cmpi ne, %convert_element_type3A_86, %cond3A_87 : i32
      scf.if %cond3A_88 {
        %dma_start3A_89 = arith.constant 50048 : i32
        %dma_start3A_90 = tpu.memref_slice %arg3[%select_n3A, %dma_start3A_89] : memref<832x100000xf32, #tpu.memory_space<hbm>> -> memref<1x49952xf32, #tpu.memory_space<hbm>>
        %dma_start3A_91 = tpu.memref_squeeze %dma_start3A_90 : memref<1x49952xf32, #tpu.memory_space<hbm>> -> memref<49952xf32, #tpu.memory_space<hbm>>
        %dma_start3A_92 = arith.constant 50048 : i32
        %dma_start3A_93 = tpu.memref_slice %arg3[%select_n3A, %dma_start3A_92] : memref<832x100000xf32, #tpu.memory_space<hbm>> -> memref<1x49952xf32, #tpu.memory_space<hbm>>
        %dma_start3A_94 = tpu.memref_squeeze %dma_start3A_93 : memref<1x49952xf32, #tpu.memory_space<hbm>> -> memref<49952xf32, #tpu.memory_space<hbm>>
        tpu.enqueue_dma source(%dma_start3A_94 : memref<49952xf32, #tpu.memory_space<hbm>>) target(%arg6 : memref<49952xf32, #tpu.memory_space<vmem>>) target_semaphore(%arg11 : memref<!tpu.dma_semaphore, #tpu.memory_space<semaphore_mem>>)
      } else {
      }
    }
    %scan3A_25 = arith.constant 26 : i32
    %dma_wait3A = arith.constant 0 : i32
    %dma_wait3A_26 = tpu.memref_slice %arg4[%mul3A_2, %dma_wait3A] : memref<832x4096xf32, #tpu.memory_space<hbm>> -> memref<1x4096xf32, #tpu.memory_space<hbm>>
    %dma_wait3A_27 = tpu.memref_squeeze %dma_wait3A_26 : memref<1x4096xf32, #tpu.memory_space<hbm>> -> memref<4096xf32, #tpu.memory_space<hbm>>
    %dma_wait3A_28 = arith.constant 0 : i32
    %dma_wait3A_29 = tpu.memref_slice %arg4[%mul3A_2, %dma_wait3A_28] : memref<832x4096xf32, #tpu.memory_space<hbm>> -> memref<1x4096xf32, #tpu.memory_space<hbm>>
    %dma_wait3A_30 = tpu.memref_squeeze %dma_wait3A_29 : memref<1x4096xf32, #tpu.memory_space<hbm>> -> memref<4096xf32, #tpu.memory_space<hbm>>
    tpu.wait_dma2 semaphore(%arg12 : memref<!tpu.dma_semaphore, #tpu.memory_space<semaphore_mem>>) src(%arg8 : memref<4096xf32, #tpu.memory_space<vmem>>) dst(%dma_wait3A_30 : memref<4096xf32, #tpu.memory_space<hbm>>)
    return
  }
}

</mosaic_0001>

<sc_bundles>
// kernel: kernel.3.cloned.1.call-start
scs
__scs_entry_jumppad:
0x0: {  	(pc) =	sbr.rel $0x88, $3  }
0x1: {  	(tag) =	ssettag $0x0;
	lr =	simm.s32 $0x1  }
0x2: {  	[smem:$0x3F9F] =	sst lr;
	_ =	strace $0xD0000000  }
0x3: {  	_ = 	snop  }
0x4: {  	_ = 	snop  }
0x5: {  	_ = 	snop  }
0x6: {  	_ = 	snop  }
0x7: {  	_ = 	snop  }
__scs_overlays_trampoline_lowered:
0x8: {  	[smem:$0x3FAE] =	sst s0  }
0x9: {  	[smem:$0x3FAF] =	sst s1  }
0xa: {  	[smem:$0x3FB0] =	sst s2  }
0xb: {  	[smem:$0x3FB1] =	sst s3  }
0xc: {  	[smem:$0x3FB2] =	sst s4  }
0xd: {  	[smem:$0x3FB3] =	sst s5  }
0xe: {  	[smem:$0x3FB4] =	sst s6  }
0xf: {  	[smem:$0x3FB5] =	sst s7  }
0x10: {  	[smem:$0x3FB6] =	sst s8  }
0x11: {  	[smem:$0x3FB7] =	sst s9;
	s0 =	simm.s32 @!p0 $0x0  }
0x12: {  	s1 =	sld [smem:$0x3F9D];
	s0 =	simm.s32 @p0 $0x1  }
0x13: {  	[smem:$0x3FB8] =	sst s0;
	s0 =	simm.s32 @!p1 $0x0  }
0x14: {  	s2 =	sld [smem:$0x3F9C];
	s0 =	simm.s32 @p1 $0x1  }
0x15: {  	[smem:$0x3FB9] =	sst s0;
	s0 =	simm.s32 @!p2 $0x0  }
0x16: {  	s3 =	sld [smem:$0x3FDB];
	s0 =	simm.s32 @p2 $0x1  }
0x17: {  	s4 =	simm.s32 $0x1BF5;
	[smem:$0x3FBB] =	sst s0  }
0x18: {  	s0 =	sld [smem:$0x3F9E];
	_ =	swait.ge [sflag:s4], $0x0  }
0x19: {  	s7 =	sld [smem:$0x3F9F]  }
0x1a: {  	s8 =	sadd.s32 $0xFFFFE003, lr  }
0x1b: {  	s9 =	sadd.s32 $0xFFFFFEF7, lr;
	s5 =	simm.s32 $0xFFFFFFFF;
	p2 =	slt.u32 s8, $0xFFFFF086  }
0x1c: {  	p1 =	slt.u32 s9, $0xF7A;
	s5 =	simm.s32 @!p2 $0x0  }
0x1d: {  	s5 =	simm.s32 @p1 $0x1;
	p0 =	seq.s32 s7, s2  }
0x1e: {  	s7 =	smul.u32 @!p0 $0xF7A, s2;
	p2 =	seq.s32 @!p0 s5, $0x0  }
0x1f: {  	s9 =	smul.u32 $0xF7A, s1;
	s8 =	simm.s32 @!p0 $0x1BF5;
	p2 =	por !p2, p0  }
0x20: {  	[sflag:s8] =	ssyncset.s32 @!p0 $0xFFFFF086;
	s6 =	sadd.s32 @!p0 s3, s7;
	s7 =	simm.s32 @!p0 $0x108  }
0x21: {  	s3 =	sadd.s32 s3, s9;
	s6 =	sadd.s32 @!p0 $0x88, s6;
	s7 =	simm.s32 @p2 $0x1082  }
0x22: {  	[simem:s7], [sflag:s8] =	dma.local @!p0 [hbm:s6], $0xF7A  }
0x23: {  	s9 =	sor.u32 $0xD0000000, s2;
	s6 =	simm.s32 $0x108;
	_ =	swait.ge @!p0 [sflag:s8], $0x0  }
0x24: {  	s3 =	sadd.s32 $0x88, s3;
	s6 =	simm.s32 @!p1 $0x1082;
	[sflag:s4] =	ssyncset.s32 $0xFFFFF086  }
0x25: {  	[simem:s6], [sflag:s4] =	dma.local [hbm:s3], $0xF7A  }
0x26: {  	[smem:$0x3F9F] =	sst s1;
	(tag) =	ssettag s2;
	_ =	strace s9  }
0x27: {  	s1 =	sld [smem:$0x3FAF]  }
0x28: {  	s2 =	sld [smem:$0x3FB0]  }
0x29: {  	s4 =	sld [smem:$0x3FB2]  }
0x2a: {  	p0 =	seq.s32 s5, $0x0;
	s5 =	sld [smem:$0x3FB3]  }
0x2b: {  	s6 =	sld [smem:$0x3FB4]  }
0x2c: {  	s7 =	sld [smem:$0x3FB5]  }
0x2d: {  	s3 =	simm.s32 $0x108;
	s8 =	sld [smem:$0x3FB6]  }
0x2e: {  	s3 =	simm.s32 @!p0 $0x1082;
	s9 =	sld [smem:$0x3FB7]  }
0x2f: {  	lr =	sadd.s32 s0, s3;
	s0 =	sld [smem:$0x3FAE]  }
0x30: {  	s3 =	sld [smem:$0x3FB1]  }
0x31: {  	[smem:$0x3FBA] =	sst s10  }
0x32: {  	s10 =	sld [smem:$0x3FB8];
	_ =	sdelay $0x3  }
0x33: {  	p0 =	seq.s32 s10, $0x1;
	s10 =	sld [smem:$0x3FBA];
	_ =	sdelay $0x3  }
0x34: {  	[smem:$0x3FBA] =	sst s10  }
0x35: {  	s10 =	sld [smem:$0x3FB9];
	_ =	sdelay $0x3  }
0x36: {  	p1 =	seq.s32 s10, $0x1;
	s10 =	sld [smem:$0x3FBA];
	_ =	sdelay $0x3  }
0x37: {  	[smem:$0x3FBA] =	sst s10  }
0x38: {  	s10 =	sld [smem:$0x3FBB]  }
0x39: {  	_ = 	snop;
	(pc) =	sbr.ind lr, $3  }
0x3a: {  	_ = 	snop  }
0x3b: {  	_ = 	snop  }
0x3c: {  	p2 =	seq.s32 s10, $0x1;
	s10 =	sld [smem:$0x3FBA]  }
0x3d: {  	_ =	shalt  }
0x3e: {  	_ =	shalt  }
0x3f: {  	_ =	shalt  }
0x40: {  	_ =	shalt  }
0x41: {  	_ =	shalt  }
0x42: {  	_ =	shalt  }
0x43: {  	_ =	shalt  }
0x44: {  	_ =	shalt  }
0x45: {  	_ =	shalt  }
0x46: {  	_ =	shalt  }
0x47: {  	_ =	shalt  }
0x48: {  	_ =	shalt  }
0x49: {  	_ =	shalt  }
0x4a: {  	_ =	shalt  }
0x4b: {  	_ =	shalt  }
0x4c: {  	_ =	shalt  }
0x4d: {  	_ =	shalt  }
0x4e: {  	_ =	shalt  }
0x4f: {  	_ =	shalt  }
0x50: {  	_ =	shalt  }
0x51: {  	_ =	shalt  }
0x52: {  	_ =	shalt  }
0x53: {  	_ =	shalt  }
0x54: {  	_ =	shalt  }
0x55: {  	_ =	shalt  }
0x56: {  	_ =	shalt  }
0x57: {  	_ =	shalt  }
0x58: {  	_ =	shalt  }
0x59: {  	_ =	shalt  }
0x5a: {  	_ =	shalt  }
0x5b: {  	_ =	shalt  }
0x5c: {  	_ =	shalt  }
0x5d: {  	_ =	shalt  }
0x5e: {  	_ =	shalt  }
0x5f: {  	_ =	shalt  }
0x60: {  	_ =	shalt  }
0x61: {  	_ =	shalt  }
0x62: {  	_ =	shalt  }
0x63: {  	_ =	shalt  }
0x64: {  	_ =	shalt  }
0x65: {  	_ =	shalt  }
0x66: {  	_ =	shalt  }
0x67: {  	_ =	shalt  }
0x68: {  	_ =	shalt  }
0x69: {  	_ =	shalt  }
0x6a: {  	_ =	shalt  }
0x6b: {  	_ =	shalt  }
0x6c: {  	_ =	shalt  }
0x6d: {  	_ =	shalt  }
0x6e: {  	_ =	shalt  }
0x6f: {  	_ =	shalt  }
0x70: {  	_ =	shalt  }
0x71: {  	_ =	shalt  }
0x72: {  	_ =	shalt  }
0x73: {  	_ =	shalt  }
0x74: {  	_ =	shalt  }
0x75: {  	_ =	shalt  }
0x76: {  	_ =	shalt  }
0x77: {  	_ =	shalt  }
0x78: {  	_ =	shalt  }
0x79: {  	_ =	shalt  }
0x7a: {  	_ =	shalt  }
0x7b: {  	_ =	shalt  }
0x7c: {  	_ =	shalt  }
0x7d: {  	_ =	shalt  }
0x7e: {  	_ =	shalt  }
0x7f: {  	_ =	shalt  }
0x80: {  	_ =	shalt  }
0x81: {  	_ =	shalt  }
0x82: {  	_ =	shalt  }
0x83: {  	_ =	shalt  }
0x84: {  	_ =	shalt  }
0x85: {  	_ =	shalt  }
0x86: {  	_ =	shalt  }
0x87: {  	_ =	shalt  }
.Lfunc_end0:
.L_simem_size_0:
called_computation_lowered:
.L_overlay_start_0:
0x88: {  	s2 =	sld [smem:$0x3FD9]  }
0x89: {  	s3 =	sld [smem:$0x3FFE];
	_ =	sdelay $0x1  }
0x8a: {  	s1 =	srdreg.scid  }
0x8b: {  	s0 =	sand.u32 $0x1, s1  }
0x8c: {  	s18 =	sshll.u32 s0, $0xA;
	s2 =	sadd.s32 s3, s2  }
0x8d: {  	s2 =	sadd.s32 s2, s18  }
0x8e: {  	[smem:$0x3FC6] =	sst s2  }
0x8f: {  	_ = 	snop  }
0x90: {  	s2 =	sld [smem:$0x3FC9]  }
0x91: {  	s19 =	sld [smem:$0x3FC8]  }
0x92: {  	s4 =	sld [smem:$0x3FD0];
	(tm) =	ssettm $0x1  }
0x93: {  	s5 =	sld [smem:$0x3FFB];
	_ =	sdelay $0x3  }
0x94: {  	_ =	strace s5  }
0x95: {  	s5 =	sld [smem:$0x3FFC];
	_ =	sdelay $0x3  }
0x96: {  	_ =	strace s5  }
0x97: {  	s5 =	sld [smem:$0x3FFD];
	_ =	sdelay $0x3  }
0x98: {  	_ =	strace s5  }
0x99: {  	_ =	strace $0x8FFFFFFF  }
0x9a: {  	s20 =	sld [smem:$0x3FDB];
	_ =	sdelay $0x1  }
0x9b: {  	s6 =	simm.s32 $_scs_section_size  }
0x9c: {  	s7 =	simm.s32 $_size__tile_overlayer_lowered;
	s8 =	simm.s32 $_tile_overlayer_lowered  }
0x9d: {  	s23 =	simm.s32 $0x1BFF;
	s22 =	sshll.u32 s8, $0x1;
	s5 =	sadd.s32 s6, s20  }
0x9e: {  	s9 =	simm.s32 $0x0;
	s21 =	sshll.u32 s7, $0x1;
	s7 =	sadd.s32 s22, s5  }
0x9f: {  	[timem:s9], [sflag:s23] =	dma.local [hbm:s7], s21  }
0xa0: {  	_ =	swait.ge [sflag:s23], s21  }
0xa1: {  	s6 =	ssub.s32 $0x0, s21;
	[sflag:s23] =	ssyncset.done $0x0  }
0xa2: {  	[sflag:s23] =	ssyncadd.s32 s6;
	_ =	sdelay $0x1  }
0xa3: {  	s24 =	simm.s32 $0x1B8B  }
0xa4: {  	_ =	swait.ge [sflag:s24], $0x1  }
0xa5: {  	[sflag:s24] =	ssyncset.done $0x0  }
0xa6: {  	s25 =	simm.s32 $0x1B8E;
	[sflag:s24] =	ssyncadd.s32 $0xFFFFFFFF  }
0xa7: {  	s26 =	simm.s32 $execute0_lowered;
	[smem:$0x3FD2] =	sst s25  }
0xa8: {  	s6 =	sshll.u32 s26, $0x1;
	_ =	strace $0x80000046;
	[dreg:$0x1] =	wrdreg $0xFFFFFFFF  }
0xa9: {  	s28 =	simm.s32 $_size_execute0_lowered;
	s5 =	sadd.s32 s5, s6;
	[dreg:$0x0] =	wrdreg $0x0  }
0xaa: {  	s6 =	sshll.u32 s28, $0x1;
	[dreg:$0x2] =	wrdreg s5  }
0xab: {  	[dreg:$0x3] =	wrdreg s6  }
0xac: {  	[dreg:$0x4] =	wrdreg $0xC0  }
0xad: {  	_ =	task [dreg:s9], $0x5FFFF  }
0xae: {  	[dreg:$0x1] =	wrdreg $0xFFFFFFFF  }
0xaf: {  	[dreg:$0x0] =	wrdreg $0x60  }
0xb0: {  	[dreg:$0x2] =	wrdreg s2  }
0xb1: {  	[dreg:$0x3] =	wrdreg s19  }
0xb2: {  	[dreg:$0x4] =	wrdreg s4  }
0xb3: {  	[dreg:$0x5] =	wrdreg $0x9  }
0xb4: {  	_ =	task.clear_ibuf [dreg:s9], $0x6FFFF;
	_ =	strace $0x90000046  }
0xb5: {  	s29 =	simm.s32 $0x9;
	_ =	strace $0x80000048  }
0xb6: {  	_ =	swait.ge [sflag:s29], $0x1  }
0xb7: {  	[sflag:s29] =	ssyncadd.s32 $0xFFFFFFFF  }
0xb8: {  	_ =	strace $0x90000048  }
0xb9: {  	_ =	sfence  }
0xba: {  	s30 =	sld [smem:$0x0];
	_ =	sdelay $0x2  }
0xbb: {  	s31 =	sshll.u32 s1, $0xD;
	s1 =	sshrl.u32 s1, $0x2  }
0xbc: {  	s3 =	sand.u32 $0x4000, s31;
	s1 =	sadd.s32 s1, s30  }
0xbd: {  	s0 =	sor.u32 s3, s0;
	s1 =	sshll.u32 s1, $0x11  }
0xbe: {  	s0 =	sor.u32 s1, s0  }
0xbf: {  	s0 =	sadd.s32 $0x8F2B, s0  }
0xc0: {  	[sflag:s0] =	ssyncadd.remote.s32 $0x1  }
0xc1: {  	_ =	sfence.sel $0xFFFF  }
0xc2: {  	[dreg:$0x0] =	wrdreg $0xFFFFFFFF;
	(pc) =	sbr.abs _section_cstart, $3  }
0xc3: {  	[dreg:$0x1] =	wrdreg $0xFFFFFFFF  }
0xc4: {  	_ =	task.clear_ibuf [dreg:s9], $0x2FFFF;
	_ =	strace $0x9FFFFFFF  }
0xc5: {  	(tm) =	ssettm $0x7FFFFFFF  }
tec
execute0_lowered:
.L_overlay_start_1:
0x0: {  	(tag) =	ssettag $0x1  }
0x1: {  	s1 =	rddreg [dreg:$0x0]  }
0x2: {  	s3 =	rddreg [dreg:$0x1];
	s2 =	srdreg.scid  }
0x3: {  	s0 =	stileid.u32;
	s4 =	rddreg [dreg:$0x2];
	s5 =	simm.s32 $0x0  }
0x4: {  	s13 =	simm.s32 $0x18700;
	s14 =	simm.s32 $0xC380;
	s15 =	simm.s32 $0x1  }
0x5: {  	s16 =	simm.s32 $0x2;
	s7 =	sand.u32 $0x1, s2;
	s6 =	sshll.u32 s0, $0x1  }
0x6: {  	s17 =	simm.s32 $0x3;
	s18 =	simm.s32 $0x19700;
	s8 =	sor.u32 s7, s6  }
0x7: {  	s19 =	simm.s32 $0x4;
	s2 =	rddreg [dreg:$0x3];
	s6 =	smul.u32 $0x1A, s8  }
0x8: {  	s20 =	simm.s32 $0x0;
	[smem:$0x7FF] =	sst s5;
	s9 =	smul.u32 $0xD00, s8  }
0x9: {  	_ =	strace $0x80000047;
	s7 =	ssub.s32 $0x2, s7;
	s10 =	smul.u32 $0x68, s8  }
0xa: {  	s12 =	sshrl.u32 s7, $0x1;
	s8 =	sshll.u32 s8, $0x8;
	s11 =	sshrl.u32 s6, $0x3  }
0xb: {  	s8 =	sand.u32 $0x300, s8;
	s12 =	ssub.s32 s7, s12;
	s11 =	smul.u32 $0xC3800, s11  }
.Ltmp0:
0xc: {  	s9 =	sand.u32 $0x18000, s9;
	s10 =	sand.u32 $0x380, s10;
	(pc) =	sbr.rel .LBB2_1-.Ltmp0, $4  }
0xd: {  	s28 =	sor.u32 s10, s9;
	s10 =	smax.u32 s12, $0x1;
	s8 =	sor.u32 s8, s11  }
0xe: {  	s12 =	simm.s32 $0x400;
	s7 =	sshrl.u32 s28, $0x3;
	s30 =	sadd.s32 $0x61C00, s8  }
0xf: {  	s7 =	sadd.s32 s1, s7;
	s29 =	sshrl.u32 s8, $0x3;
	s31 =	sshrl.u32 s30, $0x3  }
0x10: {  	s11 =	simm.s32 $0x80;
	s8 =	sadd.s32 s3, s29;
	s9 =	sadd.s32 s3, s31  }
.LBB2_8:
0x11: {  	s20 =	sadd.s32 $0x1, s20  }
0x12: {  	p0 =	sne.s32 s20, s10  }
.Ltmp1:
0x13: {  	_ = 	snop;
	(pc) =	sbr.rel @!p0 .LBB2_9-.Ltmp1, $4  }
0x14: {  	_ = 	snop  }
0x15: {  	_ =	swait.ge [sflag:s19], $0x1000  }
0x16: {  	[sflag:s19] =	ssyncset.done $0x0  }
0x17: {  	[sflag:s19] =	ssyncadd.s32 $0xFFFFF000  }
.LBB2_1:
0x18: {  	[tilespmem:s13], [sflag:$0x1] =	stream.strided.gather [hbm4b:s7+s11], $0x1000, s12, s11, $0x38;
	[tilespmem:$0x1A700] =	vst v63  }
0x19: {  	_ = 	snop  }
0x1a: {  	[tilespmem:s5], [sflag:$0x2] =	stream.strided.gather [hbm4b:s8+s11], $0xC380, s12, s11, $0x38;
	[tilespmem:$0x1A700] =	vst v63  }
0x1b: {  	s21 =	simm.s32 $0x0  }
0x1c: {  	[tilespmem:s14], [sflag:$0x3] =	stream.strided.gather [hbm4b:s9+s11], $0xC380, s12, s11, $0x38;
	[tilespmem:$0x1A700] =	vst v63  }
.LBB2_2:
0x1d: {  	s22 =	sadd.s32 s6, s21;
	p0 =	seq.s32 s21, $0x0  }
0x1e: {  	s23 =	sadd.s32 @!p0 $0xFFFFFFFF, s22;
	s25 =	simm.s32 @!p0 $0x4  }
0x1f: {  	s24 =	sshrl.u32 s22, $0x5;
	s23 =	sshrl.u32 @!p0 s23, $0x5;
	_ =	swait.ge @!p0 [sflag:s25], $0x1000  }
0x20: {  	p1 =	seq.s32 @!p0 s24, s23;
	[sflag:s25] =	ssyncset.done @!p0 $0x0  }
0x21: {  	p1 =	por p0, !p1;
	[sflag:s25] =	ssyncadd.s32 @!p0 $0xFFFFF000  }
0x22: {  	_ =	swait.ge @p1 [sflag:s15], $0x1000  }
0x23: {  	[sflag:s15] =	ssyncset.done @p1 $0x0  }
0x24: {  	s23 =	simm.s32 $0x1;
	p0 =	sne.s32 s21, $0x19;
	[sflag:s15] =	ssyncadd.s32 @p1 $0xFFFFF000  }
0x25: {  	s26 =	simm.s32 $0xFFFFFFFC;
	s23 =	simm.s32 @!p0 $0x0;
	_ =	swait.ge [sflag:s16], $0xC380  }
0x26: {  	s28 =	simm.s32 $0x19720;
	s23 =	sadd.s32 s23, s22;
	[sflag:s16] =	ssyncset.done $0x0  }
0x27: {  	s29 =	simm.s32 $0x18720;
	s25 =	sshrl.u32 s23, $0x5;
	[sflag:s16] =	ssyncadd.s32 $0xFFFF3C80  }
.LBB2_3:
0x28: {  	v0 =	vld [tilespmem:s29+$0xFFFFFFE0];
	_ =	sdelay $0x4  }
0x29: {  	vm0 =	vlt.s32 v0, $0xC380;
	_ =	sdelay $0x5  }
0x2a: {  	v0 =	vld.idx.msk [tilespmem:v0+s5+$0x0], vm0;
	_ =	sdelay $0x4  }
0x2b: {  	v0 =	vnsel vm0, $0x0, v0  }
0x2c: {  	[tilespmem:s28+$0xFFFFFFE0] =	vst v0  }
0x2d: {  	v0 =	vld [tilespmem:s29+$0xFFFFFFF0];
	_ =	sdelay $0x4  }
0x2e: {  	vm13 =	vlt.s32 v0, $0xC380;
	_ =	sdelay $0x5  }
0x2f: {  	v0 =	vld.idx.msk [tilespmem:v0+s5+$0x0], vm13;
	_ =	sdelay $0x4  }
0x30: {  	v0 =	vnsel vm13, $0x0, v0  }
0x31: {  	[tilespmem:s28+$0xFFFFFFF0] =	vst v0  }
0x32: {  	v0 =	vld [tilespmem:s29+$0x0];
	_ =	sdelay $0x4  }
0x33: {  	vm14 =	vlt.s32 v0, $0xC380;
	_ =	sdelay $0x5  }
0x34: {  	v0 =	vld.idx.msk [tilespmem:v0+s5+$0x0], vm14;
	_ =	sdelay $0x4  }
0x35: {  	v0 =	vnsel vm14, $0x0, v0  }
0x36: {  	[tilespmem:s28+$0x0] =	vst v0  }
0x37: {  	v0 =	vld [tilespmem:s29+$0x10];
	_ =	sdelay $0x4  }
0x38: {  	vm15 =	vlt.s32 v0, $0xC380;
	_ =	sdelay $0x5  }
0x39: {  	s26 =	sadd.s32 $0x4, s26;
	v0 =	vld.idx.msk [tilespmem:v0+s5+$0x0], vm15  }
0x3a: {  	p0 =	slt.u32 s26, $0xFC  }
.Ltmp2:
0x3b: {  	_ = 	snop;
	(pc) =	sbr.rel @p0 .LBB2_3-.Ltmp2, $3  }
0x3c: {  	_ =	sdelay $0x1  }
0x3d: {  	v0 =	vnsel vm15, $0x0, v0  }
0x3e: {  	s29 =	sadd.s32 $0x40, s29;
	[tilespmem:s28+$0x10] =	vst v0;
	s28 =	sadd.s32 $0x40, s28  }
0x3f: {  	p0 =	seq.s32 s21, $0x19  }
0x40: {  	s26 =	sshrl.u32 @!p0 s23, $0x3  }
0x41: {  	s28 =	sshll.u32 @!p0 s23, $0x7;
	s26 =	smul.u32 @!p0 $0xC3800, s26  }
0x42: {  	s28 =	sand.u32 @!p0 $0x380, s28  }
0x43: {  	s26 =	sor.u32 @!p0 s28, s26  }
0x44: {  	s29 =	simm.s32 @!p0 $0x400;
	s26 =	sshrl.u32 @!p0 s26, $0x3  }
0x45: {  	s30 =	simm.s32 @!p0 $0x0;
	s28 =	simm.s32 @!p0 $0x80;
	s26 =	sadd.s32 @!p0 s3, s26  }
0x46: {  	[tilespmem:s30], [sflag:$0x2] =	stream.strided.gather @!p0 [hbm4b:s26+s28], $0xC380, s29, s28, $0x38;
	[tilespmem:$0x1A700] =	vst v63  }
0x47: {  	s31 =	sshll.u32 s22, $0x4;
	_ =	swait.ge [sflag:s17], $0xC380  }
0x48: {  	s26 =	sand.u32 $0x70, s31;
	s28 =	simm.s32 $0xFFFFFFFC;
	[sflag:s17] =	ssyncset.done $0x0  }
0x49: {  	s29 =	simm.s32 $0x19720;
	s30 =	simm.s32 $0x18720;
	[sflag:s17] =	ssyncadd.s32 $0xFFFF3C80  }
.LBB2_5:
0x4a: {  	v0 =	vld [tilespmem:s30+$0xFFFFFFE0];
	_ =	sdelay $0x4  }
0x4b: {  	vm0 =	vgt.s32 v0, $0xC37F  }
0x4c: {  	v0 =	vadd.s32 $0xFFFF3C80, v0;
	_ =	sdelay $0x4  }
0x4d: {  	v0 =	vld.idx.msk [tilespmem:v0+s14+$0x0], vm0  }
0x4e: {  	v1 =	vld [tilespmem:s29+$0xFFFFFFE0];
	_ =	sdelay $0x3  }
0x4f: {  	v0 =	vnsel vm0, $0x0, v0  }
0x50: {  	v0 =	vadd.f32 v0, v1;
	_ =	sdelay $0x1  }
0x51: {  	[tilespmem:s29+$0xFFFFFFE0] =	vst v0  }
0x52: {  	v0 =	vld [tilespmem:s30+$0xFFFFFFF0];
	_ =	sdelay $0x4  }
0x53: {  	vm13 =	vgt.s32 v0, $0xC37F  }
0x54: {  	v0 =	vadd.s32 $0xFFFF3C80, v0;
	_ =	sdelay $0x4  }
0x55: {  	v0 =	vld.idx.msk [tilespmem:v0+s14+$0x0], vm13  }
0x56: {  	v61 =	vld [tilespmem:s29+$0xFFFFFFF0];
	_ =	sdelay $0x3  }
0x57: {  	v0 =	vnsel vm13, $0x0, v0  }
0x58: {  	v0 =	vadd.f32 v0, v61;
	_ =	sdelay $0x1  }
0x59: {  	[tilespmem:s29+$0xFFFFFFF0] =	vst v0  }
0x5a: {  	v0 =	vld [tilespmem:s30+$0x0];
	_ =	sdelay $0x4  }
0x5b: {  	vm14 =	vgt.s32 v0, $0xC37F  }
0x5c: {  	v0 =	vadd.s32 $0xFFFF3C80, v0;
	_ =	sdelay $0x4  }
0x5d: {  	v0 =	vld.idx.msk [tilespmem:v0+s14+$0x0], vm14  }
0x5e: {  	v62 =	vld [tilespmem:s29+$0x0];
	_ =	sdelay $0x3  }
0x5f: {  	v0 =	vnsel vm14, $0x0, v0  }
0x60: {  	v0 =	vadd.f32 v0, v62;
	_ =	sdelay $0x1  }
0x61: {  	[tilespmem:s29+$0x0] =	vst v0  }
0x62: {  	v0 =	vld [tilespmem:s30+$0x10];
	_ =	sdelay $0x4  }
0x63: {  	vm15 =	vgt.s32 v0, $0xC37F  }
0x64: {  	v0 =	vadd.s32 $0xFFFF3C80, v0;
	_ =	sdelay $0x4  }
0x65: {  	v0 =	vld.idx.msk [tilespmem:v0+s14+$0x0], vm15  }
0x66: {  	v63 =	vld [tilespmem:s29+$0x10]  }
0x67: {  	s28 =	sadd.s32 $0x4, s28  }
0x68: {  	p1 =	slt.u32 s28, $0xFC  }
.Ltmp3:
0x69: {  	_ = 	snop;
	(pc) =	sbr.rel @p1 .LBB2_5-.Ltmp3, $3  }
0x6a: {  	v0 =	vnsel vm15, $0x0, v0  }
0x6b: {  	v0 =	vadd.f32 v0, v63;
	_ =	sdelay $0x1  }
0x6c: {  	s30 =	sadd.s32 $0x40, s30;
	[tilespmem:s29+$0x10] =	vst v0;
	s29 =	sadd.s32 $0x40, s29  }
0x6d: {  	p1 =	seq.s32 @!p0 s25, s24  }
0x6e: {  	p1 =	por p1, p0  }
0x6f: {  	s24 =	sshll.u32 @!p1 s23, $0x7;
	s25 =	sshll.u32 @!p1 s25, $0x7  }
0x70: {  	s22 =	sshll.u32 s22, $0x9;
	s24 =	sand.u32 @!p1 $0x7FFF8000, s24;
	s25 =	sand.u32 @!p1 $0x380, s25  }
0x71: {  	s31 =	sadd.s32 s4, s26;
	s22 =	sand.u32 $0xFFFF000, s22;
	s24 =	sor.u32 @!p1 s24, s25  }
.Ltmp4:
0x72: {  	s28 =	simm.s32 @!p1 $0x400;
	s24 =	sshrl.u32 @!p1 s24, $0x3;
	(pc) =	sbr.rel @p0 .LBB2_8-.Ltmp4, $4  }
0x73: {  	s29 =	simm.s32 @!p1 $0x18700;
	s25 =	simm.s32 @!p1 $0x80;
	s24 =	sadd.s32 @!p1 s1, s24  }
0x74: {  	[tilespmem:s29], [sflag:$0x1] =	stream.strided.gather @!p1 [hbm4b:s24+s25], $0x1000, s28, s25, $0x38;
	[tilespmem:$0x1A700] =	vst v63  }
0x75: {  	s22 =	sadd.s32 s22, s31  }
0x76: {  	[hbm4b:s22+s11] =	stream.strided.scatter [tilespmem:s18], [sflag:$0x4], $0x1000, s12, s11, $0x38;
	[tilespmem:$0x1A700] =	vst v63  }
0x77: {  	s22 =	sshrl.u32 s23, $0x3  }
0x78: {  	s31 =	sshll.u32 s23, $0x7;
	s22 =	smul.u32 $0xC3800, s22  }
0x79: {  	s23 =	sand.u32 $0x380, s31  }
.Ltmp5:
0x7a: {  	s22 =	sor.u32 s23, s22;
	(pc) =	sbr.rel .LBB2_2-.Ltmp5, $4  }
0x7b: {  	s22 =	sadd.s32 $0x61C00, s22  }
0x7c: {  	s22 =	sshrl.u32 s22, $0x3  }
0x7d: {  	s21 =	sadd.s32 $0x1, s21;
	s22 =	sadd.s32 s3, s22  }
0x7e: {  	[tilespmem:s14], [sflag:$0x3] =	stream.strided.gather [hbm4b:s22+s11], $0xC380, s12, s11, $0x38;
	[tilespmem:$0x1A700] =	vst v63  }
.LBB2_9:
0x7f: {  	_ =	sfence.sel $0x180000  }
0x80: {  	[bflag:$0x0] =	sbarrier.arrive $0xFFFF  }
0x81: {  	p0 =	sne.s32 s0, $0x0;
	_ =	strace $0x90000047  }
0x82: {  	s0 =	sadd.s32 @!p0 $0x100000, s2;
	[bflag:$0x2] =	sbarrier.arrive $0xFFFF  }
0x83: {  	[sflag:s0] =	ssyncadd.tile.s32 @!p0 $0x1;
	_ =	shalt  }
.Lfunc_end2:
_tile_overlayer_lowered:
.L_overlay_start_2:
0x84: {  	(tag) =	ssettag $0x2  }
0x85: {  	s0 =	rddreg [dreg:$0x0];
	s2 =	stileid.u32  }
0x86: {  	s1 =	rddreg [dreg:$0x1];
	p0 =	sne.s32 s2, $0x0  }
0x87: {  	s3 =	rddreg [dreg:$0x2];
	[bflag:$0x3] =	sbarrier.arrive $0xFFFF;
	s2 =	simm.s32 @!p0 $0x1C05  }
0x88: {  	[timem:s3], [sflag:s2] =	dma.local @!p0 [hbm:s0], s1  }
0x89: {  	s0 =	simm.s32 @!p0 $0x5  }
0x8a: {  	_ =	swait.ge @!p0 [sflag:s0], s1  }
0x8b: {  	s1 =	ssub.s32 @!p0 $0x0, s1;
	[sflag:s0] =	ssyncset.done @!p0 $0x0  }
0x8c: {  	[sflag:s0] =	ssyncadd.s32 @!p0 s1  }
0x8d: {  	[bflag:$0x3] =	sbarrier.arrive $0xFFFF  }
0x8e: {  	_ =	shalt  }

</sc_bundles>
